<compile_context>
chip_gen: v7x
topology: tpu7x:2x2x1
jax: 0.10.2.dev20260603
libtpu: 0.0.44.dev20260713+nightly
codegen_flags: <defaults>
</compile_context>

<pallas_src>
import functools

import jax
import jax.numpy as jnp
from jax import lax
from jax.experimental import pallas as pl
from jax.experimental.pallas import tpu as pltpu
from jax.experimental.pallas import tpu_sc as plsc

_EPS = 1e-6


def _make_sc_kernel(B, V, D, n_cores, n_subcores):
    nw = n_cores * n_subcores
    b_per_w = B // nw
    mesh = plsc.VectorSubcoreMesh(core_axis_name="c", subcore_axis_name="s")

    @functools.partial(
        pl.kernel,
        mesh=mesh,
        compiler_params=pltpu.CompilerParams(use_tc_tiling_on_sc=False),
        out_type=[
            jax.ShapeDtypeStruct((B, D), jnp.float32),
            jax.ShapeDtypeStruct((B, D), jnp.float32),
        ],
        scratch_types=[
            pltpu.VMEM((b_per_w,), jnp.int32),
            pltpu.VMEM((b_per_w, D), jnp.float32),
            pltpu.VMEM((b_per_w, D), jnp.float32),
            pltpu.VMEM((b_per_w, D), jnp.float32),
            pltpu.SemaphoreType.DMA,
        ],
    )
    def sc_kernel(idx_hbm, table_hbm, pz_hbm, z_hbm, idx_v, rows_v, pz_v, z_v, sem):
        wid = lax.axis_index("s") * n_cores + lax.axis_index("c")
        base = wid * b_per_w
        pltpu.sync_copy(idx_hbm.at[pl.ds(base, b_per_w)], idx_v)
        pltpu.async_copy(table_hbm.at[idx_v], rows_v, sem).wait()

        def body(i, carry):
            x = rows_v[i, :]
            p = 1.0 / (1.0 + jnp.exp(-x))
            p = p * (1.0 - 2.0 * _EPS) + _EPS
            pz_v[i, :] = p
            z_v[i, :] = jnp.where(p > 0.5, 1.0, 0.0)
            return carry

        lax.fori_loop(0, b_per_w, body, 0)

        pltpu.sync_copy(pz_v, pz_hbm.at[pl.ds(base, b_per_w)])
        pltpu.sync_copy(z_v, z_hbm.at[pl.ds(base, b_per_w)])

    return sc_kernel


def kernel(inputs, embedding):
    B = inputs.shape[0]
    V, D = embedding.shape
    info = plsc.get_sparse_core_info()
    idx = inputs.reshape(-1).astype(jnp.int32)
    sc = _make_sc_kernel(B, V, D, info.num_cores, info.num_subcores)
    pz, z_f = sc(idx, embedding)
    return pz, z_f.astype(jnp.bool_)

# --- scband reference (transcript-rebuilt; emitter-appended) ---
"""Pipeline reference for scband-sequential-embedding-balanced-binary-20684562497754 (READ-ONLY COPY).

The authoritative reference and input builder live on the scoring server;
editing this copy changes nothing except your own understanding.
"""

import jax, jax.numpy as jnp
import numpy as np

X_K = 1000000
Z_DEPTH = 16
BATCH = 16384
EPS = 1e-6

def _sigmoid_smoothing(p):
    # standard smoothing: keep probabilities in (eps, 1-eps)
    return p * (1.0 - 2.0 * EPS) + EPS

def setup_inputs(seed: int = 0) -> dict:
    key = jax.random.key(seed)
    k1, k2 = jax.random.split(key)
    inputs = jax.random.randint(k1, (BATCH, 1), 0, X_K, dtype=jnp.int64 if jax.config.jax_enable_x64 else jnp.int32)
    # embeddings_initializer='random_uniform' (keras default range [-0.05, 0.05])
    embedding = jax.random.uniform(k2, (X_K, Z_DEPTH), dtype=jnp.float32, minval=-0.05, maxval=0.05)
    return {"inputs": inputs, "embedding": embedding}

def reference(inputs, embedding):
    # h = embedding[flatten(inputs), :]
    h = jnp.take(embedding, inputs.reshape(-1), axis=0)
    h = jax.nn.sigmoid(h)
    p_z = _sigmoid_smoothing(h)
    z = (p_z > 0.5)
    return (p_z, z)

if __name__ == "__main__":
    import jax
    _d = setup_inputs()
    print(jax.jit(kernel)(*tuple(_d.values())))

</pallas_src>

<mosaic_0001>
#map = affine_map<(d0, d1) -> (0)>
#map1 = affine_map<(d0, d1) -> (0, 0)>
module attributes {stable_mosaic.version = 14 : i64} {
  func.func @sc_kernel(%arg0: i32, %arg1: i32, %arg2: memref<16384xi32, #tpu.memory_space<hbm>>, %arg3: memref<1000000x16xf32, #tpu.memory_space<hbm>>, %arg4: memref<16384x16xf32, #tpu.memory_space<hbm>>, %arg5: memref<16384x16xf32, #tpu.memory_space<hbm>>, %arg6: memref<512xi32, #tpu.memory_space<vmem>>, %arg7: memref<512x16xf32, #tpu.memory_space<vmem>>, %arg8: memref<512x16xf32, #tpu.memory_space<vmem>>, %arg9: memref<512x16xf32, #tpu.memory_space<vmem>>, %arg10: memref<!tpu.dma_semaphore, #tpu.memory_space<semaphore_mem>>) attributes {dimension_semantics = [#tpu.dimension_semantics<core_parallel>, #tpu.dimension_semantics<subcore_parallel>], iteration_bounds = array<i64: 2, 16>, scalar_prefetch = 0 : i64, scratch_operands = 5 : i64, tpu.core_type = #tpu.core_type<sc_vector_subcore>, window_params = [{transform_indices = #map}, {transform_indices = #map1}, {transform_indices = #map1}, {transform_indices = #map1}]} {
    %mul3A = arith.constant 2 : i32
    %mul3A_0 = arith.muli %arg1, %mul3A : i32
    %add3A = arith.addi %mul3A_0, %arg0 : i32
    %mul3A_1 = arith.constant 512 : i32
    %mul3A_2 = arith.muli %add3A, %mul3A_1 : i32
    "tpu.region"() ({
      %run_scoped3A = tpu.sem_alloc : memref<!tpu.dma_semaphore, #tpu.memory_space<semaphore_mem>>
      %dma_start3A_12 = tpu.memref_slice %arg2[%mul3A_2] : memref<16384xi32, #tpu.memory_space<hbm>> -> memref<512xi32, #tpu.memory_space<hbm>>
      %dma_start3A_13 = tpu.memref_slice %arg2[%mul3A_2] : memref<16384xi32, #tpu.memory_space<hbm>> -> memref<512xi32, #tpu.memory_space<hbm>>
      tpu.enqueue_dma source(%dma_start3A_13 : memref<512xi32, #tpu.memory_space<hbm>>) target(%arg6 : memref<512xi32, #tpu.memory_space<vmem>>) target_semaphore(%run_scoped3A : memref<!tpu.dma_semaphore, #tpu.memory_space<semaphore_mem>>)
      %dma_wait3A_14 = tpu.memref_slice %arg2[%mul3A_2] : memref<16384xi32, #tpu.memory_space<hbm>> -> memref<512xi32, #tpu.memory_space<hbm>>
      %dma_wait3A_15 = tpu.memref_slice %arg2[%mul3A_2] : memref<16384xi32, #tpu.memory_space<hbm>> -> memref<512xi32, #tpu.memory_space<hbm>>
      tpu.wait_dma2 semaphore(%run_scoped3A : memref<!tpu.dma_semaphore, #tpu.memory_space<semaphore_mem>>) src(%dma_wait3A_15 : memref<512xi32, #tpu.memory_space<hbm>>) dst(%arg6 : memref<512xi32, #tpu.memory_space<vmem>>)
      tpu.yield
    }) : () -> ()
    %dma_start3A = arith.constant 0 : i32
    %dma_start3A_3 = arith.constant 0 : i32
    %dma_start3A_4 = tpu.memref_slice %arg3[%dma_start3A, %dma_start3A_3] : memref<1000000x16xf32, #tpu.memory_space<hbm>> -> memref<1000000x16xf32, #tpu.memory_space<hbm>>
    tpu.enqueue_indirect_dma source(%dma_start3A_4 : memref<1000000x16xf32, #tpu.memory_space<hbm>>) target(%arg7 : memref<512x16xf32, #tpu.memory_space<vmem>>) offsets(%arg6 : memref<512xi32, #tpu.memory_space<vmem>>) semaphore(%arg10 : memref<!tpu.dma_semaphore, #tpu.memory_space<semaphore_mem>>)
    %dma_wait3A = arith.constant 0 : i32
    %dma_wait3A_5 = arith.constant 0 : i32
    %dma_wait3A_6 = tpu.memref_slice %arg3[%dma_wait3A, %dma_wait3A_5] : memref<1000000x16xf32, #tpu.memory_space<hbm>> -> memref<1000000x16xf32, #tpu.memory_space<hbm>>
    tpu.wait_indirect_dma semaphore(%arg10 : memref<!tpu.dma_semaphore, #tpu.memory_space<semaphore_mem>>) src(%dma_wait3A_6 : memref<1000000x16xf32, #tpu.memory_space<hbm>>) dst(%arg7 : memref<512x16xf32, #tpu.memory_space<vmem>>)
    %scan3A = arith.constant 0 : i32
    %scan3A_7 = arith.constant 0 : i32
    %scan3A_8 = arith.constant 512 : i32
    %scan3A_9 = arith.addi %scan3A_7, %scan3A_8 : i32
    %scan3A_10 = arith.constant 1 : i32
    scf.for %scan3A_12 = %scan3A_7 to %scan3A_9 step %scan3A_10  : i32 {
      %get3A = arith.index_cast %scan3A_12 : i32 to index
      %get3A_13 = arith.constant 0 : index
      %get3A_14 = tpu.vector_load %arg7[%get3A, %get3A_13] {strides = array<i32>} : memref<512x16xf32, #tpu.memory_space<vmem>>, vector<1x16xf32>,
      %get3A_15 = vector.shape_cast %get3A_14 : vector<1x16xf32> to vector<16xf32>
      %neg3A = arith.constant 0.000000e+00 : f32
      %neg3A_16 = vector.broadcast %neg3A : f32 to vector<16xf32>
      %neg3A_17 = arith.subf %neg3A_16, %get3A_15 : vector<16xf32>
      %exp3A = math.exp %neg3A_17 : vector<16xf32>
      %add3A_18 = arith.constant 1.000000e+00 : f32
      %add3A_19 = vector.broadcast %add3A_18 : f32 to vector<16xf32>
      %add3A_20 = arith.addf %add3A_19, %exp3A : vector<16xf32>
      %div3A = arith.constant 1.000000e+00 : f32
      %div3A_21 = vector.broadcast %div3A : f32 to vector<16xf32>
      %div3A_22 = arith.divf %div3A_21, %add3A_20 : vector<16xf32>
      %mul3A_23 = arith.constant 0.999997973 : f32
      %mul3A_24 = vector.broadcast %mul3A_23 : f32 to vector<16xf32>
      %mul3A_25 = arith.mulf %div3A_22, %mul3A_24 : vector<16xf32>
      %add3A_26 = arith.constant 9.99999997E-7 : f32
      %add3A_27 = vector.broadcast %add3A_26 : f32 to vector<16xf32>
      %add3A_28 = arith.addf %mul3A_25, %add3A_27 : vector<16xf32>
      %swap3A = arith.index_cast %scan3A_12 : i32 to index
      %swap3A_29 = arith.constant 0 : index
      %swap3A_30 = tpu.vector_load %arg8[%swap3A, %swap3A_29] {strides = array<i32>} : memref<512x16xf32, #tpu.memory_space<vmem>>, vector<1x16xf32>,
      %swap3A_31 = vector.shape_cast %swap3A_30 : vector<1x16xf32> to vector<16xf32>
      %swap3A_32 = vector.shape_cast %add3A_28 : vector<16xf32> to vector<1x16xf32>
      tpu.vector_store %arg8[%swap3A, %swap3A_29], %swap3A_32 {strides = array<i32>} : memref<512x16xf32, #tpu.memory_space<vmem>>, vector<1x16xf32>,
      %gt3A = arith.constant 5.000000e-01 : f32
      %gt3A_33 = vector.broadcast %gt3A : f32 to vector<16xf32>
      %gt3A_34 = arith.cmpf ogt, %add3A_28, %gt3A_33 : vector<16xf32>
      %jit3A = arith.constant 1.000000e+00 : f32
      %jit3A_35 = arith.constant 0.000000e+00 : f32
      %broadcast_in_dim3A = vector.broadcast %jit3A : f32 to vector<16xf32>
      %broadcast_in_dim3A_36 = vector.broadcast %jit3A_35 : f32 to vector<16xf32>
      %select_n3A = arith.select %gt3A_34, %broadcast_in_dim3A, %broadcast_in_dim3A_36 : vector<16xi1>, vector<16xf32>
      %swap3A_37 = arith.index_cast %scan3A_12 : i32 to index
      %swap3A_38 = arith.constant 0 : index
      %swap3A_39 = tpu.vector_load %arg9[%swap3A_37, %swap3A_38] {strides = array<i32>} : memref<512x16xf32, #tpu.memory_space<vmem>>, vector<1x16xf32>,
      %swap3A_40 = vector.shape_cast %swap3A_39 : vector<1x16xf32> to vector<16xf32>
      %swap3A_41 = vector.shape_cast %select_n3A : vector<16xf32> to vector<1x16xf32>
      tpu.vector_store %arg9[%swap3A_37, %swap3A_38], %swap3A_41 {strides = array<i32>} : memref<512x16xf32, #tpu.memory_space<vmem>>, vector<1x16xf32>,
    }
    %scan3A_11 = arith.constant 512 : i32
    "tpu.region"() ({
      %run_scoped3A = tpu.sem_alloc : memref<!tpu.dma_semaphore, #tpu.memory_space<semaphore_mem>>
      %dma_start3A_12 = arith.constant 0 : i32
      %dma_start3A_13 = tpu.memref_slice %arg4[%mul3A_2, %dma_start3A_12] : memref<16384x16xf32, #tpu.memory_space<hbm>> -> memref<512x16xf32, #tpu.memory_space<hbm>>
      %dma_start3A_14 = arith.constant 0 : i32
      %dma_start3A_15 = tpu.memref_slice %arg4[%mul3A_2, %dma_start3A_14] : memref<16384x16xf32, #tpu.memory_space<hbm>> -> memref<512x16xf32, #tpu.memory_space<hbm>>
      tpu.enqueue_dma source(%arg8 : memref<512x16xf32, #tpu.memory_space<vmem>>) target(%dma_start3A_15 : memref<512x16xf32, #tpu.memory_space<hbm>>) target_semaphore(%run_scoped3A : memref<!tpu.dma_semaphore, #tpu.memory_space<semaphore_mem>>)
      %dma_wait3A_16 = arith.constant 0 : i32
      %dma_wait3A_17 = tpu.memref_slice %arg4[%mul3A_2, %dma_wait3A_16] : memref<16384x16xf32, #tpu.memory_space<hbm>> -> memref<512x16xf32, #tpu.memory_space<hbm>>
      %dma_wait3A_18 = arith.constant 0 : i32
      %dma_wait3A_19 = tpu.memref_slice %arg4[%mul3A_2, %dma_wait3A_18] : memref<16384x16xf32, #tpu.memory_space<hbm>> -> memref<512x16xf32, #tpu.memory_space<hbm>>
      tpu.wait_dma2 semaphore(%run_scoped3A : memref<!tpu.dma_semaphore, #tpu.memory_space<semaphore_mem>>) src(%arg8 : memref<512x16xf32, #tpu.memory_space<vmem>>) dst(%dma_wait3A_19 : memref<512x16xf32, #tpu.memory_space<hbm>>)
      tpu.yield
    }) : () -> ()
    "tpu.region"() ({
      %run_scoped3A = tpu.sem_alloc : memref<!tpu.dma_semaphore, #tpu.memory_space<semaphore_mem>>
      %dma_start3A_12 = arith.constant 0 : i32
      %dma_start3A_13 = tpu.memref_slice %arg5[%mul3A_2, %dma_start3A_12] : memref<16384x16xf32, #tpu.memory_space<hbm>> -> memref<512x16xf32, #tpu.memory_space<hbm>>
      %dma_start3A_14 = arith.constant 0 : i32
      %dma_start3A_15 = tpu.memref_slice %arg5[%mul3A_2, %dma_start3A_14] : memref<16384x16xf32, #tpu.memory_space<hbm>> -> memref<512x16xf32, #tpu.memory_space<hbm>>
      tpu.enqueue_dma source(%arg9 : memref<512x16xf32, #tpu.memory_space<vmem>>) target(%dma_start3A_15 : memref<512x16xf32, #tpu.memory_space<hbm>>) target_semaphore(%run_scoped3A : memref<!tpu.dma_semaphore, #tpu.memory_space<semaphore_mem>>)
      %dma_wait3A_16 = arith.constant 0 : i32
      %dma_wait3A_17 = tpu.memref_slice %arg5[%mul3A_2, %dma_wait3A_16] : memref<16384x16xf32, #tpu.memory_space<hbm>> -> memref<512x16xf32, #tpu.memory_space<hbm>>
      %dma_wait3A_18 = arith.constant 0 : i32
      %dma_wait3A_19 = tpu.memref_slice %arg5[%mul3A_2, %dma_wait3A_18] : memref<16384x16xf32, #tpu.memory_space<hbm>> -> memref<512x16xf32, #tpu.memory_space<hbm>>
      tpu.wait_dma2 semaphore(%run_scoped3A : memref<!tpu.dma_semaphore, #tpu.memory_space<semaphore_mem>>) src(%arg9 : memref<512x16xf32, #tpu.memory_space<vmem>>) dst(%dma_wait3A_19 : memref<512x16xf32, #tpu.memory_space<hbm>>)
      tpu.yield
    }) : () -> ()
    return
  }
}

</mosaic_0001>

<sc_bundles>
// kernel: kernel.3.cloned.1.call-start
scs
__scs_entry_jumppad:
0x0: {  	(pc) =	sbr.rel $0x88, $3  }
0x1: {  	(tag) =	ssettag $0x0;
	lr =	simm.s32 $0x1  }
0x2: {  	[smem:$0x3F9F] =	sst lr;
	_ =	strace $0xD0000000  }
0x3: {  	_ = 	snop  }
0x4: {  	_ = 	snop  }
0x5: {  	_ = 	snop  }
0x6: {  	_ = 	snop  }
0x7: {  	_ = 	snop  }
__scs_overlays_trampoline_lowered:
0x8: {  	[smem:$0x3FAE] =	sst s0  }
0x9: {  	[smem:$0x3FAF] =	sst s1  }
0xa: {  	[smem:$0x3FB0] =	sst s2  }
0xb: {  	[smem:$0x3FB1] =	sst s3  }
0xc: {  	[smem:$0x3FB2] =	sst s4  }
0xd: {  	[smem:$0x3FB3] =	sst s5  }
0xe: {  	[smem:$0x3FB4] =	sst s6  }
0xf: {  	[smem:$0x3FB5] =	sst s7  }
0x10: {  	[smem:$0x3FB6] =	sst s8  }
0x11: {  	[smem:$0x3FB7] =	sst s9;
	s0 =	simm.s32 @!p0 $0x0  }
0x12: {  	s1 =	sld [smem:$0x3F9D];
	s0 =	simm.s32 @p0 $0x1  }
0x13: {  	[smem:$0x3FB8] =	sst s0;
	s0 =	simm.s32 @!p1 $0x0  }
0x14: {  	s2 =	sld [smem:$0x3F9C];
	s0 =	simm.s32 @p1 $0x1  }
0x15: {  	[smem:$0x3FB9] =	sst s0;
	s0 =	simm.s32 @!p2 $0x0  }
0x16: {  	s3 =	sld [smem:$0x3FDB];
	s0 =	simm.s32 @p2 $0x1  }
0x17: {  	s4 =	simm.s32 $0x1BF5;
	[smem:$0x3FBB] =	sst s0  }
0x18: {  	s0 =	sld [smem:$0x3F9E];
	_ =	swait.ge [sflag:s4], $0x0  }
0x19: {  	s7 =	sld [smem:$0x3F9F]  }
0x1a: {  	s8 =	sadd.s32 $0xFFFFE003, lr  }
0x1b: {  	s9 =	sadd.s32 $0xFFFFFEF7, lr;
	s5 =	simm.s32 $0xFFFFFFFF;
	p2 =	slt.u32 s8, $0xFFFFF086  }
0x1c: {  	p1 =	slt.u32 s9, $0xF7A;
	s5 =	simm.s32 @!p2 $0x0  }
0x1d: {  	s5 =	simm.s32 @p1 $0x1;
	p0 =	seq.s32 s7, s2  }
0x1e: {  	s7 =	smul.u32 @!p0 $0xF7A, s2;
	p2 =	seq.s32 @!p0 s5, $0x0  }
0x1f: {  	s9 =	smul.u32 $0xF7A, s1;
	s8 =	simm.s32 @!p0 $0x1BF5;
	p2 =	por !p2, p0  }
0x20: {  	[sflag:s8] =	ssyncset.s32 @!p0 $0xFFFFF086;
	s6 =	sadd.s32 @!p0 s3, s7;
	s7 =	simm.s32 @!p0 $0x108  }
0x21: {  	s3 =	sadd.s32 s3, s9;
	s6 =	sadd.s32 @!p0 $0x88, s6;
	s7 =	simm.s32 @p2 $0x1082  }
0x22: {  	[simem:s7], [sflag:s8] =	dma.local @!p0 [hbm:s6], $0xF7A  }
0x23: {  	s9 =	sor.u32 $0xD0000000, s2;
	s6 =	simm.s32 $0x108;
	_ =	swait.ge @!p0 [sflag:s8], $0x0  }
0x24: {  	s3 =	sadd.s32 $0x88, s3;
	s6 =	simm.s32 @!p1 $0x1082;
	[sflag:s4] =	ssyncset.s32 $0xFFFFF086  }
0x25: {  	[simem:s6], [sflag:s4] =	dma.local [hbm:s3], $0xF7A  }
0x26: {  	[smem:$0x3F9F] =	sst s1;
	(tag) =	ssettag s2;
	_ =	strace s9  }
0x27: {  	s1 =	sld [smem:$0x3FAF]  }
0x28: {  	s2 =	sld [smem:$0x3FB0]  }
0x29: {  	s4 =	sld [smem:$0x3FB2]  }
0x2a: {  	p0 =	seq.s32 s5, $0x0;
	s5 =	sld [smem:$0x3FB3]  }
0x2b: {  	s6 =	sld [smem:$0x3FB4]  }
0x2c: {  	s7 =	sld [smem:$0x3FB5]  }
0x2d: {  	s3 =	simm.s32 $0x108;
	s8 =	sld [smem:$0x3FB6]  }
0x2e: {  	s3 =	simm.s32 @!p0 $0x1082;
	s9 =	sld [smem:$0x3FB7]  }
0x2f: {  	lr =	sadd.s32 s0, s3;
	s0 =	sld [smem:$0x3FAE]  }
0x30: {  	s3 =	sld [smem:$0x3FB1]  }
0x31: {  	[smem:$0x3FBA] =	sst s10  }
0x32: {  	s10 =	sld [smem:$0x3FB8];
	_ =	sdelay $0x3  }
0x33: {  	p0 =	seq.s32 s10, $0x1;
	s10 =	sld [smem:$0x3FBA];
	_ =	sdelay $0x3  }
0x34: {  	[smem:$0x3FBA] =	sst s10  }
0x35: {  	s10 =	sld [smem:$0x3FB9];
	_ =	sdelay $0x3  }
0x36: {  	p1 =	seq.s32 s10, $0x1;
	s10 =	sld [smem:$0x3FBA];
	_ =	sdelay $0x3  }
0x37: {  	[smem:$0x3FBA] =	sst s10  }
0x38: {  	s10 =	sld [smem:$0x3FBB]  }
0x39: {  	_ = 	snop;
	(pc) =	sbr.ind lr, $3  }
0x3a: {  	_ = 	snop  }
0x3b: {  	_ = 	snop  }
0x3c: {  	p2 =	seq.s32 s10, $0x1;
	s10 =	sld [smem:$0x3FBA]  }
0x3d: {  	_ =	shalt  }
0x3e: {  	_ =	shalt  }
0x3f: {  	_ =	shalt  }
0x40: {  	_ =	shalt  }
0x41: {  	_ =	shalt  }
0x42: {  	_ =	shalt  }
0x43: {  	_ =	shalt  }
0x44: {  	_ =	shalt  }
0x45: {  	_ =	shalt  }
0x46: {  	_ =	shalt  }
0x47: {  	_ =	shalt  }
0x48: {  	_ =	shalt  }
0x49: {  	_ =	shalt  }
0x4a: {  	_ =	shalt  }
0x4b: {  	_ =	shalt  }
0x4c: {  	_ =	shalt  }
0x4d: {  	_ =	shalt  }
0x4e: {  	_ =	shalt  }
0x4f: {  	_ =	shalt  }
0x50: {  	_ =	shalt  }
0x51: {  	_ =	shalt  }
0x52: {  	_ =	shalt  }
0x53: {  	_ =	shalt  }
0x54: {  	_ =	shalt  }
0x55: {  	_ =	shalt  }
0x56: {  	_ =	shalt  }
0x57: {  	_ =	shalt  }
0x58: {  	_ =	shalt  }
0x59: {  	_ =	shalt  }
0x5a: {  	_ =	shalt  }
0x5b: {  	_ =	shalt  }
0x5c: {  	_ =	shalt  }
0x5d: {  	_ =	shalt  }
0x5e: {  	_ =	shalt  }
0x5f: {  	_ =	shalt  }
0x60: {  	_ =	shalt  }
0x61: {  	_ =	shalt  }
0x62: {  	_ =	shalt  }
0x63: {  	_ =	shalt  }
0x64: {  	_ =	shalt  }
0x65: {  	_ =	shalt  }
0x66: {  	_ =	shalt  }
0x67: {  	_ =	shalt  }
0x68: {  	_ =	shalt  }
0x69: {  	_ =	shalt  }
0x6a: {  	_ =	shalt  }
0x6b: {  	_ =	shalt  }
0x6c: {  	_ =	shalt  }
0x6d: {  	_ =	shalt  }
0x6e: {  	_ =	shalt  }
0x6f: {  	_ =	shalt  }
0x70: {  	_ =	shalt  }
0x71: {  	_ =	shalt  }
0x72: {  	_ =	shalt  }
0x73: {  	_ =	shalt  }
0x74: {  	_ =	shalt  }
0x75: {  	_ =	shalt  }
0x76: {  	_ =	shalt  }
0x77: {  	_ =	shalt  }
0x78: {  	_ =	shalt  }
0x79: {  	_ =	shalt  }
0x7a: {  	_ =	shalt  }
0x7b: {  	_ =	shalt  }
0x7c: {  	_ =	shalt  }
0x7d: {  	_ =	shalt  }
0x7e: {  	_ =	shalt  }
0x7f: {  	_ =	shalt  }
0x80: {  	_ =	shalt  }
0x81: {  	_ =	shalt  }
0x82: {  	_ =	shalt  }
0x83: {  	_ =	shalt  }
0x84: {  	_ =	shalt  }
0x85: {  	_ =	shalt  }
0x86: {  	_ =	shalt  }
0x87: {  	_ =	shalt  }
.Lfunc_end0:
.L_simem_size_0:
called_computation_lowered:
.L_overlay_start_0:
0x88: {  	s2 =	sld [smem:$0x3FD9]  }
0x89: {  	s3 =	sld [smem:$0x3FFE];
	_ =	sdelay $0x1  }
0x8a: {  	s1 =	srdreg.scid  }
0x8b: {  	s0 =	sand.u32 $0x1, s1  }
0x8c: {  	s14 =	sshll.u32 s0, $0xA;
	s2 =	sadd.s32 s3, s2  }
0x8d: {  	s2 =	sadd.s32 s2, s14  }
0x8e: {  	[smem:$0x3FC6] =	sst s2  }
0x8f: {  	_ = 	snop  }
0x90: {  	s2 =	sld [smem:$0x3FD0];
	_ =	sdelay $0x2  }
0x91: {  	s4 =	simm.s32 $0xA;
	s5 =	simm.s32 $0x10;
	s15 =	sld [smem:$0x3FC9]  }
0x92: {  	[smem:s5], [sflag:s4] =	dma.local [hbm:s2], $0x1  }
0x93: {  	_ =	swait.eq [sflag:s4], $0x1  }
0x94: {  	[sflag:s4] =	ssyncset.done $0x0  }
0x95: {  	[sflag:s4] =	ssyncadd.s32 $0xFFFFFFFF  }
0x96: {  	s16 =	sld [smem:$0x10];
	(tm) =	ssettm $0x1  }
0x97: {  	s17 =	sld [smem:$0x3FFB];
	_ =	sdelay $0x3  }
0x98: {  	_ =	strace s17  }
0x99: {  	s4 =	sld [smem:$0x3FFC];
	_ =	sdelay $0x3  }
0x9a: {  	_ =	strace s4  }
0x9b: {  	s4 =	sld [smem:$0x3FFD];
	_ =	sdelay $0x3  }
0x9c: {  	_ =	strace s4  }
0x9d: {  	_ =	strace $0x8FFFFFFF  }
0x9e: {  	s18 =	sld [smem:$0x3FDB];
	_ =	sdelay $0x1  }
0x9f: {  	s19 =	simm.s32 $_scs_section_size  }
0xa0: {  	s6 =	simm.s32 $_size__tile_overlayer_lowered;
	s7 =	simm.s32 $_tile_overlayer_lowered  }
0xa1: {  	s22 =	simm.s32 $0x1BFF;
	s21 =	sshll.u32 s7, $0x1;
	s4 =	sadd.s32 s19, s18  }
0xa2: {  	s8 =	simm.s32 $0x0;
	s20 =	sshll.u32 s6, $0x1;
	s6 =	sadd.s32 s21, s4  }
0xa3: {  	[timem:s8], [sflag:s22] =	dma.local [hbm:s6], s20  }
0xa4: {  	_ =	swait.ge [sflag:s22], s20  }
0xa5: {  	s5 =	ssub.s32 $0x0, s20;
	[sflag:s22] =	ssyncset.done $0x0  }
0xa6: {  	[sflag:s22] =	ssyncadd.s32 s5;
	_ =	sdelay $0x1  }
0xa7: {  	s23 =	simm.s32 $0x1B8B  }
0xa8: {  	_ =	swait.ge [sflag:s23], $0x1  }
0xa9: {  	[sflag:s23] =	ssyncset.done $0x0  }
0xaa: {  	s25 =	simm.s32 $0x1B8E;
	s24 =	sld [smem:$0x3FFE];
	[sflag:s23] =	ssyncadd.s32 $0xFFFFFFFF  }
0xab: {  	s26 =	simm.s32 $execute0_lowered;
	[smem:$0x3FD2] =	sst s25  }
0xac: {  	s6 =	sshll.u32 s26, $0x1;
	_ =	strace $0x80000046;
	[dreg:$0x1] =	wrdreg $0xFFFFFFFF  }
0xad: {  	s28 =	simm.s32 $_size_execute0_lowered;
	s4 =	sadd.s32 s4, s6;
	[dreg:$0x0] =	wrdreg $0x0  }
0xae: {  	s6 =	sshll.u32 s28, $0x1;
	[dreg:$0x2] =	wrdreg s4  }
0xaf: {  	[dreg:$0x3] =	wrdreg s6  }
0xb0: {  	[dreg:$0x4] =	wrdreg $0xC0  }
0xb1: {  	_ =	task [dreg:s8], $0x5FFFF  }
0xb2: {  	[dreg:$0x1] =	wrdreg $0xFFFFFFFF  }
0xb3: {  	[dreg:$0x0] =	wrdreg $0x60  }
0xb4: {  	[dreg:$0x2] =	wrdreg s15  }
0xb5: {  	[dreg:$0x3] =	wrdreg s24  }
0xb6: {  	[dreg:$0x4] =	wrdreg s16  }
0xb7: {  	[dreg:$0x5] =	wrdreg $0x9  }
0xb8: {  	_ =	task.clear_ibuf [dreg:s8], $0x6FFFF;
	_ =	strace $0x90000046  }
0xb9: {  	s29 =	simm.s32 $0x9;
	_ =	strace $0x80000048  }
0xba: {  	_ =	swait.ge [sflag:s29], $0x1  }
0xbb: {  	[sflag:s29] =	ssyncadd.s32 $0xFFFFFFFF  }
0xbc: {  	_ =	strace $0x90000048  }
0xbd: {  	_ =	sfence  }
0xbe: {  	s30 =	sld [smem:$0x0];
	_ =	sdelay $0x2  }
0xbf: {  	s31 =	sshll.u32 s1, $0xD;
	s1 =	sshrl.u32 s1, $0x2  }
0xc0: {  	s3 =	sand.u32 $0x4000, s31;
	s1 =	sadd.s32 s1, s30  }
0xc1: {  	s0 =	sor.u32 s3, s0;
	s1 =	sshll.u32 s1, $0x11  }
0xc2: {  	s0 =	sor.u32 s1, s0  }
0xc3: {  	s0 =	sadd.s32 $0x8F2B, s0  }
0xc4: {  	[sflag:s0] =	ssyncadd.remote.s32 $0x1  }
0xc5: {  	_ =	sfence.sel $0xFFFF  }
0xc6: {  	[dreg:$0x0] =	wrdreg $0xFFFFFFFF;
	(pc) =	sbr.abs _section_cstart, $3  }
0xc7: {  	[dreg:$0x1] =	wrdreg $0xFFFFFFFF  }
0xc8: {  	_ =	task.clear_ibuf [dreg:s8], $0x2FFFF;
	_ =	strace $0x9FFFFFFF  }
0xc9: {  	(tm) =	ssettm $0x7FFFFFFF  }
tec
execute0_lowered:
.L_overlay_start_1:
0x0: {  	(tag) =	ssettag $0x1  }
0x1: {  	s4 =	rddreg [dreg:$0x0]  }
0x2: {  	s5 =	rddreg [dreg:$0x1]  }
0x3: {  	s6 =	rddreg [dreg:$0x2]  }
0x4: {  	s0 =	rddreg [dreg:$0x3];
	s2 =	simm.s32 $0x0;
	s3 =	srdreg.scid  }
0x5: {  	s1 =	stileid.u32;
	s12 =	simm.s32 $0x4200;
	s13 =	simm.s32 $0x0  }
0x6: {  	[smem:$0x7FF] =	sst s2;
	s7 =	sand.u32 $0x1, s3;
	s8 =	sshll.u32 s1, $0xA  }
0x7: {  	s3 =	sadd.s32 $0xF42E00, s5;
	s9 =	sshll.u32 s7, $0x9;
	s7 =	ssub.s32 $0x2, s7  }
0x8: {  	_ =	strace $0x80000047;
	s8 =	sor.u32 s9, s8;
	s10 =	sshrl.u32 s7, $0x1  }
0x9: {  	s9 =	sshll.u32 s8, $0x1;
	s8 =	sshrl.u32 s8, $0x3;
	s7 =	ssub.s32 s7, s10  }
0xa: {  	s10 =	simm.s32 $0x1;
	s11 =	sadd.s32 s9, s5;
	s4 =	sadd.s32 s4, s8  }
0xb: {  	s5 =	sadd.s32 s6, s9;
	s7 =	smax.u32 s7, $0x1;
	s8 =	simm.s32 $0x2  }
0xc: {  	v0 =	vimm.f32 $0.0e+00;
	s9 =	simm.s32 $0x200;
	s6 =	sadd.s32 $0xA00, s11;
	s11 =	simm.s32 $0x2200  }
.LBB2_1:
0xd: {  	[tilespmem:s2], [sflag:$0x2] =	stream.linear.gather [hbm4b:s4+s2], $0x200, $0x38;
	[tilespmem:$0x6200] =	vst v63  }
0xe: {  	_ =	swait.ge [sflag:s8], $0x200  }
0xf: {  	[sflag:s8] =	ssyncset.done $0x0  }
0x10: {  	[sflag:s8] =	ssyncadd.s32 $0xFFFFFE00  }
0x11: {  	[tilespmem:s9], [sflag:$0x1] =	stream.indirect.gather [hbm4b:s3+s9], $0x10, s2, s9, $0xb8;
	[tilespmem:$0x6200] =	vst v63  }
0x12: {  	_ =	swait.ge [sflag:s10], $0x2000  }
0x13: {  	[sflag:s10] =	ssyncset.done $0x0  }
0x14: {  	s18 =	simm.s32 $0x0;
	[sflag:s10] =	ssyncadd.s32 $0xFFFFE000  }
0x15: {  	v1 =	vld [tilespmem:s18+$0x200];
	_ =	sdelay $0x4  }
0x16: {  	v1 =	vsub.f32 $0.0e+00, v1;
	_ =	sdelay $0x1  }
0x17: {  	v1 =	vmul.f32 $1.442695020e+00, v1  }
0x18: {  	s16 =	simm.s32 $0x10  }
0x19: {  	(erf) = vpow2.f32 v1;
	v1 =	vld [tilespmem:s16+$0x200]  }
0x1a: {  	s14 =	simm.s32 $0x20  }
0x1b: {  	v2 =	vld [tilespmem:s14+$0x200];
	_ =	sdelay $0x2  }
0x1c: {  	v1 =	vsub.f32 $0.0e+00, v1;
	_ =	sdelay $0x1  }
0x1d: {  	v2 =	vsub.f32 $0.0e+00, v2;
	v1 =	vmul.f32 $1.442695020e+00, v1;
	_ =	sdelay $0x1  }
0x1e: {  	v2 =	vmul.f32 $1.442695020e+00, v2;
	(erf) = vpow2.f32 v1  }
0x1f: {  	s17 =	simm.s32 $0x30  }
0x20: {  	v3 =	vpop (erf);
	(erf) = vpow2.f32 v2;
	v2 =	vld [tilespmem:s17+$0x200]  }
0x21: {  	v1 =	vadd.f32 $1.000000000e+00, v3  }
0x22: {  	s15 =	simm.s32 $0x40  }
0x23: {  	(erf) = vrcp.f32 v1;
	v1 =	vld [tilespmem:s15+$0x200];
	_ =	sdelay $0x1  }
0x24: {  	v2 =	vsub.f32 $0.0e+00, v2;
	_ =	sdelay $0x1  }
0x25: {  	v2 =	vmul.f32 $1.442695020e+00, v2;
	v3 =	vpop (erf)  }
0x26: {  	v1 =	vsub.f32 $0.0e+00, v1;
	v3 =	vadd.f32 $1.000000000e+00, v3  }
0x27: {  	(erf) = vpow2.f32 v2  }
0x28: {  	v4 =	vpop (erf);
	v1 =	vmul.f32 $1.442695020e+00, v1;
	(erf) = vrcp.f32 v3  }
0x29: {  	s19 =	simm.s32 $0x50;
	v3 =	vadd.f32 $1.000000000e+00, v4  }
0x2a: {  	v2 =	vpop (erf);
	(erf) = vpow2.f32 v1;
	v1 =	vld [tilespmem:s19+$0x200]  }
0x2b: {  	(erf) = vrcp.f32 v3  }
0x2c: {  	v2 =	vmul.f32 $9.999979730e-01, v2;
	_ =	sdelay $0x1  }
0x2d: {  	s20 =	simm.s32 $0x180;
	v2 =	vadd.f32 $9.999999970e-07, v2  }
.LBB2_2:
0x2e: {  	s21 =	sshra.s32 s20, $0x2;
	v5 =	vsub.f32 $0.0e+00, v1;
	p0 =	sne.s32 s20, $0x7FC0  }
.Ltmp0:
0x2f: {  	s20 =	sadd.s32 $0x40, s20;
	v1 =	vld [tilespmem:s21+$0x200];
	v4 =	vpop (erf);
	[tilespmem:s18+$0x2200] =	vst v2;
	vm0 =	vgt.f32 v2, $5.000000000e-01;
	(pc) =	sbr.rel @p0 .LBB2_2-.Ltmp0, $4  }
0x30: {  	v2 =	vmul.f32 $1.442695020e+00, v5;
	v3 =	vpop (erf);
	v5 =	vsel vm0, $0x3F800000, v0  }
0x31: {  	v4 =	vadd.f32 $1.000000000e+00, v4;
	v3 =	vmul.f32 $9.999979730e-01, v3;
	[tilespmem:s18+$0x4200] =	vst v5;
	s18 =	smov.u32 s16;
	s16 =	smov.u32 s14;
	s14 =	smov.u32 s17  }
0x32: {  	s17 =	smov.u32 s15;
	s15 =	smov.u32 s19;
	s19 =	smov.u32 s21;
	(erf) = vpow2.f32 v2  }
0x33: {  	(erf) = vrcp.f32 v4;
	v2 =	vadd.f32 $9.999999970e-07, v3  }
0x34: {  	v1 =	vsub.f32 $0.0e+00, v1;
	_ =	sdelay $0x1  }
0x35: {  	v1 =	vmul.f32 $1.442695020e+00, v1;
	_ =	sdelay $0x1  }
0x36: {  	(erf) = vpow2.f32 v1;
	_ =	sdelay $0x2  }
0x37: {  	v1 =	vpop (erf)  }
0x38: {  	v1 =	vadd.f32 $1.000000000e+00, v1;
	_ =	sdelay $0x1  }
0x39: {  	v3 =	vpop (erf)  }
0x3a: {  	v4 =	vpop (erf)  }
0x3b: {  	(erf) = vrcp.f32 v1;
	v4 =	vadd.f32 $1.000000000e+00, v4;
	v1 =	vpop (erf)  }
0x3c: {  	v5 =	vpop (erf)  }
0x3d: {  	(erf) = vrcp.f32 v4;
	v60 =	vadd.f32 $1.000000000e+00, v5;
	_ =	sdelay $0x1  }
0x3e: {  	(erf) = vrcp.f32 v60;
	_ =	sdelay $0x1  }
0x3f: {  	v3 =	vmul.f32 $9.999979730e-01, v3;
	_ =	sdelay $0x1  }
0x40: {  	vm0 =	vgt.f32 v2, $5.000000000e-01;
	v3 =	vadd.f32 $9.999999970e-07, v3;
	v1 =	vmul.f32 $9.999979730e-01, v1  }
0x41: {  	[tilespmem:s18+$0x2200] =	vst v2;
	v2 =	vsel vm0, $0x3F800000, v0;
	v61 =	vpop (erf)  }
0x42: {  	[tilespmem:s18+$0x4200] =	vst v2;
	vm11 =	vgt.f32 v3, $5.000000000e-01;
	v1 =	vadd.f32 $9.999999970e-07, v1;
	v2 =	vmul.f32 $9.999979730e-01, v61  }
0x43: {  	[tilespmem:s16+$0x2200] =	vst v3;
	v3 =	vsel vm11, $0x3F800000, v0;
	v62 =	vpop (erf)  }
0x44: {  	[tilespmem:s16+$0x4200] =	vst v3;
	vm12 =	vgt.f32 v1, $5.000000000e-01;
	v2 =	vadd.f32 $9.999999970e-07, v2;
	v3 =	vmul.f32 $9.999979730e-01, v62  }
0x45: {  	[tilespmem:s14+$0x2200] =	vst v1;
	v1 =	vsel vm12, $0x3F800000, v0;
	v63 =	vpop (erf)  }
0x46: {  	[tilespmem:s14+$0x4200] =	vst v1;
	vm13 =	vgt.f32 v2, $5.000000000e-01;
	v1 =	vadd.f32 $9.999999970e-07, v3;
	v3 =	vmul.f32 $9.999979730e-01, v63  }
0x47: {  	[tilespmem:s17+$0x2200] =	vst v2;
	v2 =	vsel vm13, $0x3F800000, v0  }
0x48: {  	[tilespmem:s17+$0x4200] =	vst v2;
	vm14 =	vgt.f32 v1, $5.000000000e-01;
	v2 =	vadd.f32 $9.999999970e-07, v3  }
0x49: {  	[tilespmem:s15+$0x2200] =	vst v1;
	v1 =	vsel vm14, $0x3F800000, v0  }
0x4a: {  	[tilespmem:s15+$0x4200] =	vst v1;
	vm15 =	vgt.f32 v2, $5.000000000e-01  }
0x4b: {  	[tilespmem:s19+$0x2200] =	vst v2;
	v1 =	vsel vm15, $0x3F800000, v0  }
0x4c: {  	[tilespmem:s19+$0x4200] =	vst v1  }
0x4d: {  	[hbm4b:s5+s2] =	stream.linear.scatter [tilespmem:s11], [sflag:$0x2], $0x2000, $0x38;
	[tilespmem:$0x6200] =	vst v63  }
0x4e: {  	s13 =	sadd.s32 $0x1, s13;
	_ =	swait.ge [sflag:s8], $0x2000  }
0x4f: {  	p0 =	sne.s32 s13, s7;
	[sflag:s8] =	ssyncset.done $0x0  }
.Ltmp1:
0x50: {  	[sflag:s8] =	ssyncadd.s32 $0xFFFFE000;
	(pc) =	sbr.rel @p0 .LBB2_1-.Ltmp1, $4  }
0x51: {  	[hbm4b:s6+s2] =	stream.linear.scatter [tilespmem:s12], [sflag:$0x2], $0x2000, $0x38;
	[tilespmem:$0x6200] =	vst v63  }
0x52: {  	_ =	swait.ge [sflag:s8], $0x2000  }
0x53: {  	[sflag:s8] =	ssyncset.done $0x0  }
0x54: {  	[sflag:s8] =	ssyncadd.s32 $0xFFFFE000  }
0x55: {  	_ =	sfence.sel $0x180000  }
0x56: {  	[bflag:$0x0] =	sbarrier.arrive $0xFFFF  }
0x57: {  	p0 =	sne.s32 s1, $0x0;
	_ =	strace $0x90000047  }
0x58: {  	s0 =	sadd.s32 @!p0 $0x100000, s0;
	[bflag:$0x2] =	sbarrier.arrive $0xFFFF  }
0x59: {  	[sflag:s0] =	ssyncadd.tile.s32 @!p0 $0x1;
	_ =	shalt  }
.Lfunc_end2:
_tile_overlayer_lowered:
.L_overlay_start_2:
0x5a: {  	(tag) =	ssettag $0x2  }
0x5b: {  	s0 =	rddreg [dreg:$0x0];
	s2 =	stileid.u32  }
0x5c: {  	s1 =	rddreg [dreg:$0x1];
	p0 =	sne.s32 s2, $0x0  }
0x5d: {  	s3 =	rddreg [dreg:$0x2];
	[bflag:$0x3] =	sbarrier.arrive $0xFFFF;
	s2 =	simm.s32 @!p0 $0x1C02  }
0x5e: {  	[timem:s3], [sflag:s2] =	dma.local @!p0 [hbm:s0], s1  }
0x5f: {  	s0 =	simm.s32 @!p0 $0x2  }
0x60: {  	_ =	swait.ge @!p0 [sflag:s0], s1  }
0x61: {  	s1 =	ssub.s32 @!p0 $0x0, s1;
	[sflag:s0] =	ssyncset.done @!p0 $0x0  }
0x62: {  	[sflag:s0] =	ssyncadd.s32 @!p0 s1  }
0x63: {  	[bflag:$0x3] =	sbarrier.arrive $0xFFFF  }
0x64: {  	_ =	shalt  }

</sc_bundles>
